<compile_context>
chip_gen: v7x
topology: tpu7x:2x2x1
jax: 0.10.2.dev20260603
libtpu: 0.0.44.dev20260713+nightly
codegen_flags: <defaults>
</compile_context>

<pallas_src>
import jax
import jax.numpy as jnp
from jax import lax
from jax.experimental import pallas as pl
from jax.experimental.pallas import tpu as pltpu
from jax.experimental.pallas import tpu_sc as plsc

_C = 384
_HW = 3136
_NB = 3

_NC = 2
_NS = 16
_NW = _NC * _NS
_RPW = 80
_CH = 16
_NCHUNK = _RPW // _CH
_SC_BASE = 12288 - _RPW * _NW


def _tc_body(x_hbm, w_ref, out_ref, buf, sem):
    b = pl.program_id(0)
    nb = pl.num_programs(0)

    @pl.when(b == 0)
    def _():
        for j in range(_NB - 1):
            pltpu.make_async_copy(x_hbm.at[j], buf.at[j], sem.at[j]).start()

    pre = b + _NB - 1
    slot_pre = jax.lax.rem(pre, _NB)

    @pl.when(pre < nb)
    def _():
        for j in range(_NB):

            @pl.when(slot_pre == j)
            def _():
                pltpu.make_async_copy(x_hbm.at[pre], buf.at[j], sem.at[j]).start()

    slot = jax.lax.rem(b, _NB)
    for j in range(_NB):

        @pl.when(slot == j)
        def _():
            pltpu.make_async_copy(x_hbm.at[b], buf.at[j], sem.at[j]).wait()

    out_ref[0] = buf[slot, :3] * 2.0


def _sc_probe(x_hbm, out_hbm, buf0, buf1, sem0, sem1):
    wid = lax.axis_index("s") * _NC + lax.axis_index("c")
    base = _SC_BASE + wid * _RPW
    bufs = (buf0, buf1)
    sems = (sem0, sem1)

    pltpu.make_async_copy(x_hbm.at[pl.ds(base, _CH)], buf0, sem0).start()

    def step(i, carry):
        del carry
        slot = lax.rem(i, 2)
        nxt = lax.rem(i + 1, 2)

        @pl.when(i + 1 < _NCHUNK)
        def _():
            for j in range(2):

                @pl.when(nxt == j)
                def _():
                    pltpu.make_async_copy(
                        x_hbm.at[pl.ds(base + (i + 1) * _CH, _CH)],
                        bufs[j], sems[j],
                    ).start()

        for j in range(2):

            @pl.when(slot == j)
            def _():
                pltpu.make_async_copy(
                    x_hbm.at[pl.ds(base + i * _CH, _CH)],
                    bufs[j], sems[j],
                ).wait()

        return 0

    lax.fori_loop(0, _NCHUNK, step, 0)

    @pl.when(wid < 12)
    def _():
        pltpu.sync_copy(buf0.at[pl.ds(0, 8)], out_hbm.at[pl.ds(wid * 8, 8)])


@jax.jit
def kernel(x, w):
    b, c, h, wd = x.shape
    x3 = x.reshape(b, c, h * wd)
    tc_out = pl.pallas_call(
        _tc_body,
        grid=(26,),
        in_specs=[
            pl.BlockSpec(memory_space=pl.ANY),
            pl.BlockSpec(memory_space=pltpu.SMEM),
        ],
        out_specs=pl.BlockSpec((1, 3, h * wd), lambda i: (i, 0, 0)),
        out_shape=jax.ShapeDtypeStruct((26, 3, h * wd), x.dtype),
        scratch_shapes=[
            pltpu.VMEM((_NB, c, h * wd), jnp.float32),
            pltpu.SemaphoreType.DMA((_NB,)),
        ],
    )(x3, w)
    mesh = plsc.VectorSubcoreMesh(core_axis_name="c", subcore_axis_name="s")
    sc_out = pl.kernel(
        _sc_probe,
        mesh=mesh,
        out_type=jax.ShapeDtypeStruct((96, h * wd), jnp.float32),
        scratch_types=[
            pltpu.VMEM((_CH, _HW), jnp.float32),
            pltpu.VMEM((_CH, _HW), jnp.float32),
            pltpu.SemaphoreType.DMA,
            pltpu.SemaphoreType.DMA,
        ],
    )(x.reshape(b * c, h * wd))
    tail = sc_out.reshape(32, 3, h * wd)[:6]
    out = jnp.concatenate([tc_out, tail], axis=0)
    return out.reshape(b, 3, h, wd)

# --- scband reference (transcript-rebuilt; emitter-appended) ---
"""Pipeline reference for scband-eca-layer-60129542144135 (READ-ONLY COPY).

The authoritative reference and input builder live on the scoring server;
editing this copy changes nothing except your own understanding.
"""

import jax, jax.numpy as jnp
import numpy as np


def setup_inputs(seed: int = 0) -> dict:
    key = jax.random.key(seed)
    k1, k2 = jax.random.split(key)
    x = jax.random.normal(k1, (32, 384, 56, 56), dtype=jnp.float32)
    # Conv1d(1, 1, kernel_size=3, padding=1, bias=False) weight, flattened to [3]
    w = jax.random.normal(k2, (3,), dtype=jnp.float32) * (1.0 / np.sqrt(3.0))
    return {"x": x, "w": w}


def reference(x, w):
    b, c, h, wd = x.shape
    # AdaptiveAvgPool2d(1): global average pool -> [B, C]
    y = jnp.mean(x, axis=(2, 3))
    # Conv1d over the channel axis (cross-correlation, padding=1, no bias)
    yp = jnp.pad(y, ((0, 0), (1, 1)))
    y_conv = w[0] * yp[:, :-2] + w[1] * yp[:, 1:-1] + w[2] * yp[:, 2:]
    s = jax.nn.sigmoid(y_conv)  # [B, C]
    # top-3 channels per sample (sorted descending, matches torch.topk sorted=True)
    vals, idx = jax.lax.top_k(s, 3)  # idx: [B, 3]
    # scatter ones into a zero mask at top-k channel positions
    mask = jnp.zeros((b, c), dtype=x.dtype).at[jnp.arange(b)[:, None], idx].set(1.0)
    # multiply input by broadcast mask
    z2 = x * mask[:, :, None, None]
    # per-sample index_select of the top-3 channels -> [B, 3, H, W]
    out = z2[jnp.arange(b)[:, None], idx]
    return out

if __name__ == "__main__":
    import jax
    _d = setup_inputs()
    print(jax.jit(kernel)(*tuple(_d.values())))

</pallas_src>

<mosaic_0001>
#map = affine_map<(d0, d1) -> (0, 0)>
module attributes {stable_mosaic.version = 14 : i64} {
  func.func @_sc_probe(%arg0: i32, %arg1: i32, %arg2: memref<12288x3136xf32, #tpu.memory_space<hbm>>, %arg3: memref<96x3136xf32, #tpu.memory_space<hbm>>, %arg4: memref<16x3136xf32, #tpu.memory_space<vmem>>, %arg5: memref<16x3136xf32, #tpu.memory_space<vmem>>, %arg6: memref<!tpu.dma_semaphore, #tpu.memory_space<semaphore_mem>>, %arg7: memref<!tpu.dma_semaphore, #tpu.memory_space<semaphore_mem>>) attributes {dimension_semantics = [#tpu.dimension_semantics<core_parallel>, #tpu.dimension_semantics<subcore_parallel>], iteration_bounds = array<i64: 2, 16>, scalar_prefetch = 0 : i64, scratch_operands = 4 : i64, tpu.core_type = #tpu.core_type<sc_vector_subcore>, window_params = [{transform_indices = #map}, {transform_indices = #map}]} {
    %mul3A = arith.constant 2 : i32
    %mul3A_0 = arith.muli %arg1, %mul3A : i32
    %add3A = arith.addi %mul3A_0, %arg0 : i32
    %mul3A_1 = arith.constant 80 : i32
    %mul3A_2 = arith.muli %add3A, %mul3A_1 : i32
    %add3A_3 = arith.constant 9728 : i32
    %add3A_4 = arith.addi %add3A_3, %mul3A_2 : i32
    %dma_start3A = arith.constant 0 : i32
    %dma_start3A_5 = tpu.memref_slice %arg2[%add3A_4, %dma_start3A] : memref<12288x3136xf32, #tpu.memory_space<hbm>> -> memref<16x3136xf32, #tpu.memory_space<hbm>>
    %dma_start3A_6 = arith.constant 0 : i32
    %dma_start3A_7 = tpu.memref_slice %arg2[%add3A_4, %dma_start3A_6] : memref<12288x3136xf32, #tpu.memory_space<hbm>> -> memref<16x3136xf32, #tpu.memory_space<hbm>>
    tpu.enqueue_dma source(%dma_start3A_7 : memref<16x3136xf32, #tpu.memory_space<hbm>>) target(%arg4 : memref<16x3136xf32, #tpu.memory_space<vmem>>) target_semaphore(%arg6 : memref<!tpu.dma_semaphore, #tpu.memory_space<semaphore_mem>>)
    %scan3A = arith.constant 0 : i32
    %scan3A_8 = arith.constant 0 : i32
    %scan3A_9 = arith.constant 5 : i32
    %scan3A_10 = arith.addi %scan3A_8, %scan3A_9 : i32
    %scan3A_11 = arith.constant 1 : i32
    %scan3A_12 = scf.for %scan3A_16 = %scan3A_8 to %scan3A_10 step %scan3A_11 iter_args(%scan3A_17 = %scan3A) -> (i32)  : i32 {
      %rem3A = arith.constant 2 : i32
      %rem3A_18 = arith.remsi %scan3A_16, %rem3A : i32
      %add3A_19 = arith.constant 1 : i32
      %add3A_20 = arith.addi %scan3A_16, %add3A_19 : i32
      %rem3A_21 = arith.constant 2 : i32
      %rem3A_22 = arith.remsi %add3A_20, %rem3A_21 : i32
      %add3A_23 = arith.constant 1 : i32
      %add3A_24 = arith.addi %scan3A_16, %add3A_23 : i32
      %lt3A_25 = arith.constant 5 : i32
      %lt3A_26 = arith.cmpi slt, %add3A_24, %lt3A_25 : i32
      %convert_element_type3A_27 = arith.extui %lt3A_26 : i1 to i32
      %cond3A_28 = arith.constant 0 : i32
      %cond3A_29 = arith.cmpi ne, %convert_element_type3A_27, %cond3A_28 : i32
      scf.if %cond3A_29 {
        %eq3A_40 = arith.constant 0 : i32
        %eq3A_41 = arith.cmpi eq, %rem3A_22, %eq3A_40 : i32
        %convert_element_type3A_42 = arith.extui %eq3A_41 : i1 to i32
        %cond3A_43 = arith.constant 0 : i32
        %cond3A_44 = arith.cmpi ne, %convert_element_type3A_42, %cond3A_43 : i32
        scf.if %cond3A_44 {
          %add3A_50 = arith.constant 1 : i32
          %add3A_51 = arith.addi %scan3A_16, %add3A_50 : i32
          %mul3A_52 = arith.constant 16 : i32
          %mul3A_53 = arith.muli %add3A_51, %mul3A_52 : i32
          %add3A_54 = arith.addi %add3A_4, %mul3A_53 : i32
          %dma_start3A_55 = arith.constant 0 : i32
          %dma_start3A_56 = tpu.memref_slice %arg2[%add3A_54, %dma_start3A_55] : memref<12288x3136xf32, #tpu.memory_space<hbm>> -> memref<16x3136xf32, #tpu.memory_space<hbm>>
          %dma_start3A_57 = arith.constant 0 : i32
          %dma_start3A_58 = tpu.memref_slice %arg2[%add3A_54, %dma_start3A_57] : memref<12288x3136xf32, #tpu.memory_space<hbm>> -> memref<16x3136xf32, #tpu.memory_space<hbm>>
          tpu.enqueue_dma source(%dma_start3A_58 : memref<16x3136xf32, #tpu.memory_space<hbm>>) target(%arg4 : memref<16x3136xf32, #tpu.memory_space<vmem>>) target_semaphore(%arg6 : memref<!tpu.dma_semaphore, #tpu.memory_space<semaphore_mem>>)
        } else {
        }
        %eq3A_45 = arith.constant 1 : i32
        %eq3A_46 = arith.cmpi eq, %rem3A_22, %eq3A_45 : i32
        %convert_element_type3A_47 = arith.extui %eq3A_46 : i1 to i32
        %cond3A_48 = arith.constant 0 : i32
        %cond3A_49 = arith.cmpi ne, %convert_element_type3A_47, %cond3A_48 : i32
        scf.if %cond3A_49 {
          %add3A_50 = arith.constant 1 : i32
          %add3A_51 = arith.addi %scan3A_16, %add3A_50 : i32
          %mul3A_52 = arith.constant 16 : i32
          %mul3A_53 = arith.muli %add3A_51, %mul3A_52 : i32
          %add3A_54 = arith.addi %add3A_4, %mul3A_53 : i32
          %dma_start3A_55 = arith.constant 0 : i32
          %dma_start3A_56 = tpu.memref_slice %arg2[%add3A_54, %dma_start3A_55] : memref<12288x3136xf32, #tpu.memory_space<hbm>> -> memref<16x3136xf32, #tpu.memory_space<hbm>>
          %dma_start3A_57 = arith.constant 0 : i32
          %dma_start3A_58 = tpu.memref_slice %arg2[%add3A_54, %dma_start3A_57] : memref<12288x3136xf32, #tpu.memory_space<hbm>> -> memref<16x3136xf32, #tpu.memory_space<hbm>>
          tpu.enqueue_dma source(%dma_start3A_58 : memref<16x3136xf32, #tpu.memory_space<hbm>>) target(%arg5 : memref<16x3136xf32, #tpu.memory_space<vmem>>) target_semaphore(%arg7 : memref<!tpu.dma_semaphore, #tpu.memory_space<semaphore_mem>>)
        } else {
        }
      } else {
      }
      %eq3A = arith.constant 0 : i32
      %eq3A_30 = arith.cmpi eq, %rem3A_18, %eq3A : i32
      %convert_element_type3A_31 = arith.extui %eq3A_30 : i1 to i32
      %cond3A_32 = arith.constant 0 : i32
      %cond3A_33 = arith.cmpi ne, %convert_element_type3A_31, %cond3A_32 : i32
      scf.if %cond3A_33 {
        %mul3A_40 = arith.constant 16 : i32
        %mul3A_41 = arith.muli %scan3A_16, %mul3A_40 : i32
        %add3A_42 = arith.addi %add3A_4, %mul3A_41 : i32
        %dma_wait3A = arith.constant 0 : i32
        %dma_wait3A_43 = tpu.memref_slice %arg2[%add3A_42, %dma_wait3A] : memref<12288x3136xf32, #tpu.memory_space<hbm>> -> memref<16x3136xf32, #tpu.memory_space<hbm>>
        %dma_wait3A_44 = arith.constant 0 : i32
        %dma_wait3A_45 = tpu.memref_slice %arg2[%add3A_42, %dma_wait3A_44] : memref<12288x3136xf32, #tpu.memory_space<hbm>> -> memref<16x3136xf32, #tpu.memory_space<hbm>>
        tpu.wait_dma2 semaphore(%arg6 : memref<!tpu.dma_semaphore, #tpu.memory_space<semaphore_mem>>) src(%dma_wait3A_45 : memref<16x3136xf32, #tpu.memory_space<hbm>>) dst(%arg4 : memref<16x3136xf32, #tpu.memory_space<vmem>>)
      } else {
      }
      %eq3A_34 = arith.constant 1 : i32
      %eq3A_35 = arith.cmpi eq, %rem3A_18, %eq3A_34 : i32
      %convert_element_type3A_36 = arith.extui %eq3A_35 : i1 to i32
      %cond3A_37 = arith.constant 0 : i32
      %cond3A_38 = arith.cmpi ne, %convert_element_type3A_36, %cond3A_37 : i32
      scf.if %cond3A_38 {
        %mul3A_40 = arith.constant 16 : i32
        %mul3A_41 = arith.muli %scan3A_16, %mul3A_40 : i32
        %add3A_42 = arith.addi %add3A_4, %mul3A_41 : i32
        %dma_wait3A = arith.constant 0 : i32
        %dma_wait3A_43 = tpu.memref_slice %arg2[%add3A_42, %dma_wait3A] : memref<12288x3136xf32, #tpu.memory_space<hbm>> -> memref<16x3136xf32, #tpu.memory_space<hbm>>
        %dma_wait3A_44 = arith.constant 0 : i32
        %dma_wait3A_45 = tpu.memref_slice %arg2[%add3A_42, %dma_wait3A_44] : memref<12288x3136xf32, #tpu.memory_space<hbm>> -> memref<16x3136xf32, #tpu.memory_space<hbm>>
        tpu.wait_dma2 semaphore(%arg7 : memref<!tpu.dma_semaphore, #tpu.memory_space<semaphore_mem>>) src(%dma_wait3A_45 : memref<16x3136xf32, #tpu.memory_space<hbm>>) dst(%arg5 : memref<16x3136xf32, #tpu.memory_space<vmem>>)
      } else {
      }
      %scan3A_39 = arith.constant 0 : i32
      scf.yield %scan3A_39 : i32
    }
    %scan3A_13 = arith.constant 5 : i32
    %lt3A = arith.constant 12 : i32
    %lt3A_14 = arith.cmpi slt, %add3A, %lt3A : i32
    %convert_element_type3A = arith.extui %lt3A_14 : i1 to i32
    %cond3A = arith.constant 0 : i32
    %cond3A_15 = arith.cmpi ne, %convert_element_type3A, %cond3A : i32
    scf.if %cond3A_15 {
      %mul3A_16 = arith.constant 8 : i32
      %mul3A_17 = arith.muli %add3A, %mul3A_16 : i32
      "tpu.region"() ({
        %run_scoped3A = tpu.sem_alloc : memref<!tpu.dma_semaphore, #tpu.memory_space<semaphore_mem>>
        %dma_start3A_18 = arith.constant 0 : i32
        %dma_start3A_19 = arith.constant 0 : i32
        %dma_start3A_20 = tpu.memref_slice %arg4[%dma_start3A_18, %dma_start3A_19] : memref<16x3136xf32, #tpu.memory_space<vmem>> -> memref<8x3136xf32, #tpu.memory_space<vmem>>
        %dma_start3A_21 = arith.constant 0 : i32
        %dma_start3A_22 = tpu.memref_slice %arg3[%mul3A_17, %dma_start3A_21] : memref<96x3136xf32, #tpu.memory_space<hbm>> -> memref<8x3136xf32, #tpu.memory_space<hbm>>
        %dma_start3A_23 = arith.constant 0 : i32
        %dma_start3A_24 = tpu.memref_slice %arg3[%mul3A_17, %dma_start3A_23] : memref<96x3136xf32, #tpu.memory_space<hbm>> -> memref<8x3136xf32, #tpu.memory_space<hbm>>
        %dma_start3A_25 = arith.constant 0 : i32
        %dma_start3A_26 = arith.constant 0 : i32
        %dma_start3A_27 = tpu.memref_slice %arg4[%dma_start3A_25, %dma_start3A_26] : memref<16x3136xf32, #tpu.memory_space<vmem>> -> memref<8x3136xf32, #tpu.memory_space<vmem>>
        tpu.enqueue_dma source(%dma_start3A_27 : memref<8x3136xf32, #tpu.memory_space<vmem>>) target(%dma_start3A_24 : memref<8x3136xf32, #tpu.memory_space<hbm>>) target_semaphore(%run_scoped3A : memref<!tpu.dma_semaphore, #tpu.memory_space<semaphore_mem>>)
        %dma_wait3A = arith.constant 0 : i32
        %dma_wait3A_28 = arith.constant 0 : i32
        %dma_wait3A_29 = tpu.memref_slice %arg4[%dma_wait3A, %dma_wait3A_28] : memref<16x3136xf32, #tpu.memory_space<vmem>> -> memref<8x3136xf32, #tpu.memory_space<vmem>>
        %dma_wait3A_30 = arith.constant 0 : i32
        %dma_wait3A_31 = tpu.memref_slice %arg3[%mul3A_17, %dma_wait3A_30] : memref<96x3136xf32, #tpu.memory_space<hbm>> -> memref<8x3136xf32, #tpu.memory_space<hbm>>
        %dma_wait3A_32 = arith.constant 0 : i32
        %dma_wait3A_33 = tpu.memref_slice %arg3[%mul3A_17, %dma_wait3A_32] : memref<96x3136xf32, #tpu.memory_space<hbm>> -> memref<8x3136xf32, #tpu.memory_space<hbm>>
        %dma_wait3A_34 = arith.constant 0 : i32
        %dma_wait3A_35 = arith.constant 0 : i32
        %dma_wait3A_36 = tpu.memref_slice %arg4[%dma_wait3A_34, %dma_wait3A_35] : memref<16x3136xf32, #tpu.memory_space<vmem>> -> memref<8x3136xf32, #tpu.memory_space<vmem>>
        tpu.wait_dma2 semaphore(%run_scoped3A : memref<!tpu.dma_semaphore, #tpu.memory_space<semaphore_mem>>) src(%dma_wait3A_36 : memref<8x3136xf32, #tpu.memory_space<vmem>>) dst(%dma_wait3A_33 : memref<8x3136xf32, #tpu.memory_space<hbm>>)
        tpu.yield
      }) : () -> ()
    } else {
    }
    return
  }
}

module attributes {stable_mosaic.version = 14 : i64} {
  func.func @_tc_body(%arg0: i32, %arg1: memref<32x384x3136xf32, #tpu.memory_space<any>>, %arg2: memref<3xf32, #tpu.memory_space<smem>>, %arg3: memref<1x3x3136xf32, #tpu.memory_space<vmem>>, %arg4: memref<3x384x3136xf32, #tpu.memory_space<vmem>>, %arg5: memref<3x!tpu.dma_semaphore, #tpu.memory_space<semaphore_mem>>) attributes {dimension_semantics = [#tpu.dimension_semantics<arbitrary>], iteration_bounds = array<i64: 26>, scalar_prefetch = 0 : i64, scratch_operands = 2 : i64, tpu.core_type = #tpu.core_type<tc>, window_params = [{}, {transform_indices = @transform_1, window_bounds = array<i64: 3>}, {transform_indices = @transform_2, window_bounds = array<i64: 1, 3, 3136>}]} {
    %eq3A = arith.constant 0 : i32
    %eq3A_0 = arith.cmpi eq, %arg0, %eq3A : i32
    %convert_element_type3A = arith.extui %eq3A_0 : i1 to i32
    %cond3A = arith.constant 0 : i32
    %cond3A_1 = arith.cmpi ne, %convert_element_type3A, %cond3A : i32
    scf.if %cond3A_1 {
      %dma_start3A = arith.constant 0 : i32
      %dma_start3A_37 = arith.constant 0 : i32
      %dma_start3A_38 = arith.constant 0 : i32
      %dma_start3A_39 = tpu.memref_slice %arg5[%dma_start3A_38] : memref<3x!tpu.dma_semaphore, #tpu.memory_space<semaphore_mem>> -> memref<1x!tpu.dma_semaphore, #tpu.memory_space<semaphore_mem>>
      %dma_start3A_40 = tpu.memref_squeeze %dma_start3A_39 : memref<1x!tpu.dma_semaphore, #tpu.memory_space<semaphore_mem>> -> memref<!tpu.dma_semaphore, #tpu.memory_space<semaphore_mem>>
      %dma_start3A_41 = arith.constant 0 : i32
      %dma_start3A_42 = arith.constant 0 : i32
      %dma_start3A_43 = tpu.memref_slice %arg4[%dma_start3A_37, %dma_start3A_41, %dma_start3A_42] : memref<3x384x3136xf32, #tpu.memory_space<vmem>> -> memref<1x384x3136xf32, #tpu.memory_space<vmem>>
      %dma_start3A_44 = tpu.memref_squeeze %dma_start3A_43 : memref<1x384x3136xf32, #tpu.memory_space<vmem>> -> memref<384x3136xf32, #tpu.memory_space<vmem>>
      %dma_start3A_45 = arith.constant 0 : i32
      %dma_start3A_46 = arith.constant 0 : i32
      %dma_start3A_47 = tpu.memref_slice %arg1[%dma_start3A, %dma_start3A_45, %dma_start3A_46] : memref<32x384x3136xf32, #tpu.memory_space<any>> -> memref<1x384x3136xf32, #tpu.memory_space<any>>
      %dma_start3A_48 = tpu.memref_squeeze %dma_start3A_47 : memref<1x384x3136xf32, #tpu.memory_space<any>> -> memref<384x3136xf32, #tpu.memory_space<any>>
      tpu.enqueue_dma source(%dma_start3A_48 : memref<384x3136xf32, #tpu.memory_space<any>>) target(%dma_start3A_44 : memref<384x3136xf32, #tpu.memory_space<vmem>>) target_semaphore(%dma_start3A_40 : memref<!tpu.dma_semaphore, #tpu.memory_space<semaphore_mem>>)
      %dma_start3A_49 = arith.constant 1 : i32
      %dma_start3A_50 = arith.constant 1 : i32
      %dma_start3A_51 = arith.constant 1 : i32
      %dma_start3A_52 = tpu.memref_slice %arg5[%dma_start3A_51] : memref<3x!tpu.dma_semaphore, #tpu.memory_space<semaphore_mem>> -> memref<1x!tpu.dma_semaphore, #tpu.memory_space<semaphore_mem>>
      %dma_start3A_53 = tpu.memref_squeeze %dma_start3A_52 : memref<1x!tpu.dma_semaphore, #tpu.memory_space<semaphore_mem>> -> memref<!tpu.dma_semaphore, #tpu.memory_space<semaphore_mem>>
      %dma_start3A_54 = arith.constant 0 : i32
      %dma_start3A_55 = arith.constant 0 : i32
      %dma_start3A_56 = tpu.memref_slice %arg4[%dma_start3A_50, %dma_start3A_54, %dma_start3A_55] : memref<3x384x3136xf32, #tpu.memory_space<vmem>> -> memref<1x384x3136xf32, #tpu.memory_space<vmem>>
      %dma_start3A_57 = tpu.memref_squeeze %dma_start3A_56 : memref<1x384x3136xf32, #tpu.memory_space<vmem>> -> memref<384x3136xf32, #tpu.memory_space<vmem>>
      %dma_start3A_58 = arith.constant 0 : i32
      %dma_start3A_59 = arith.constant 0 : i32
      %dma_start3A_60 = tpu.memref_slice %arg1[%dma_start3A_49, %dma_start3A_58, %dma_start3A_59] : memref<32x384x3136xf32, #tpu.memory_space<any>> -> memref<1x384x3136xf32, #tpu.memory_space<any>>
      %dma_start3A_61 = tpu.memref_squeeze %dma_start3A_60 : memref<1x384x3136xf32, #tpu.memory_space<any>> -> memref<384x3136xf32, #tpu.memory_space<any>>
      tpu.enqueue_dma source(%dma_start3A_61 : memref<384x3136xf32, #tpu.memory_space<any>>) target(%dma_start3A_57 : memref<384x3136xf32, #tpu.memory_space<vmem>>) target_semaphore(%dma_start3A_53 : memref<!tpu.dma_semaphore, #tpu.memory_space<semaphore_mem>>)
    } else {
    }
    %add3A = arith.constant 3 : i32
    %add3A_2 = arith.addi %arg0, %add3A : i32
    %sub3A = arith.constant 1 : i32
    %sub3A_3 = arith.subi %add3A_2, %sub3A : i32
    %rem3A = arith.constant 3 : i32
    %rem3A_4 = arith.remsi %sub3A_3, %rem3A : i32
    %lt3A = arith.constant 26 : i32
    %lt3A_5 = arith.cmpi slt, %sub3A_3, %lt3A : i32
    %convert_element_type3A_6 = arith.extui %lt3A_5 : i1 to i32
    %cond3A_7 = arith.constant 0 : i32
    %cond3A_8 = arith.cmpi ne, %convert_element_type3A_6, %cond3A_7 : i32
    scf.if %cond3A_8 {
      %eq3A_37 = arith.constant 0 : i32
      %eq3A_38 = arith.cmpi eq, %rem3A_4, %eq3A_37 : i32
      %convert_element_type3A_39 = arith.extui %eq3A_38 : i1 to i32
      %cond3A_40 = arith.constant 0 : i32
      %cond3A_41 = arith.cmpi ne, %convert_element_type3A_39, %cond3A_40 : i32
      scf.if %cond3A_41 {
        %dma_start3A = arith.constant 0 : i32
        %dma_start3A_52 = arith.constant 0 : i32
        %dma_start3A_53 = tpu.memref_slice %arg5[%dma_start3A_52] : memref<3x!tpu.dma_semaphore, #tpu.memory_space<semaphore_mem>> -> memref<1x!tpu.dma_semaphore, #tpu.memory_space<semaphore_mem>>
        %dma_start3A_54 = tpu.memref_squeeze %dma_start3A_53 : memref<1x!tpu.dma_semaphore, #tpu.memory_space<semaphore_mem>> -> memref<!tpu.dma_semaphore, #tpu.memory_space<semaphore_mem>>
        %dma_start3A_55 = arith.constant 0 : i32
        %dma_start3A_56 = arith.constant 0 : i32
        %dma_start3A_57 = tpu.memref_slice %arg4[%dma_start3A, %dma_start3A_55, %dma_start3A_56] : memref<3x384x3136xf32, #tpu.memory_space<vmem>> -> memref<1x384x3136xf32, #tpu.memory_space<vmem>>
        %dma_start3A_58 = tpu.memref_squeeze %dma_start3A_57 : memref<1x384x3136xf32, #tpu.memory_space<vmem>> -> memref<384x3136xf32, #tpu.memory_space<vmem>>
        %dma_start3A_59 = arith.constant 0 : i32
        %dma_start3A_60 = arith.constant 0 : i32
        %dma_start3A_61 = tpu.memref_slice %arg1[%sub3A_3, %dma_start3A_59, %dma_start3A_60] : memref<32x384x3136xf32, #tpu.memory_space<any>> -> memref<1x384x3136xf32, #tpu.memory_space<any>>
        %dma_start3A_62 = tpu.memref_squeeze %dma_start3A_61 : memref<1x384x3136xf32, #tpu.memory_space<any>> -> memref<384x3136xf32, #tpu.memory_space<any>>
        tpu.enqueue_dma source(%dma_start3A_62 : memref<384x3136xf32, #tpu.memory_space<any>>) target(%dma_start3A_58 : memref<384x3136xf32, #tpu.memory_space<vmem>>) target_semaphore(%dma_start3A_54 : memref<!tpu.dma_semaphore, #tpu.memory_space<semaphore_mem>>)
      } else {
      }
      %eq3A_42 = arith.constant 1 : i32
      %eq3A_43 = arith.cmpi eq, %rem3A_4, %eq3A_42 : i32
      %convert_element_type3A_44 = arith.extui %eq3A_43 : i1 to i32
      %cond3A_45 = arith.constant 0 : i32
      %cond3A_46 = arith.cmpi ne, %convert_element_type3A_44, %cond3A_45 : i32
      scf.if %cond3A_46 {
        %dma_start3A = arith.constant 1 : i32
        %dma_start3A_52 = arith.constant 1 : i32
        %dma_start3A_53 = tpu.memref_slice %arg5[%dma_start3A_52] : memref<3x!tpu.dma_semaphore, #tpu.memory_space<semaphore_mem>> -> memref<1x!tpu.dma_semaphore, #tpu.memory_space<semaphore_mem>>
        %dma_start3A_54 = tpu.memref_squeeze %dma_start3A_53 : memref<1x!tpu.dma_semaphore, #tpu.memory_space<semaphore_mem>> -> memref<!tpu.dma_semaphore, #tpu.memory_space<semaphore_mem>>
        %dma_start3A_55 = arith.constant 0 : i32
        %dma_start3A_56 = arith.constant 0 : i32
        %dma_start3A_57 = tpu.memref_slice %arg4[%dma_start3A, %dma_start3A_55, %dma_start3A_56] : memref<3x384x3136xf32, #tpu.memory_space<vmem>> -> memref<1x384x3136xf32, #tpu.memory_space<vmem>>
        %dma_start3A_58 = tpu.memref_squeeze %dma_start3A_57 : memref<1x384x3136xf32, #tpu.memory_space<vmem>> -> memref<384x3136xf32, #tpu.memory_space<vmem>>
        %dma_start3A_59 = arith.constant 0 : i32
        %dma_start3A_60 = arith.constant 0 : i32
        %dma_start3A_61 = tpu.memref_slice %arg1[%sub3A_3, %dma_start3A_59, %dma_start3A_60] : memref<32x384x3136xf32, #tpu.memory_space<any>> -> memref<1x384x3136xf32, #tpu.memory_space<any>>
        %dma_start3A_62 = tpu.memref_squeeze %dma_start3A_61 : memref<1x384x3136xf32, #tpu.memory_space<any>> -> memref<384x3136xf32, #tpu.memory_space<any>>
        tpu.enqueue_dma source(%dma_start3A_62 : memref<384x3136xf32, #tpu.memory_space<any>>) target(%dma_start3A_58 : memref<384x3136xf32, #tpu.memory_space<vmem>>) target_semaphore(%dma_start3A_54 : memref<!tpu.dma_semaphore, #tpu.memory_space<semaphore_mem>>)
      } else {
      }
      %eq3A_47 = arith.constant 2 : i32
      %eq3A_48 = arith.cmpi eq, %rem3A_4, %eq3A_47 : i32
      %convert_element_type3A_49 = arith.extui %eq3A_48 : i1 to i32
      %cond3A_50 = arith.constant 0 : i32
      %cond3A_51 = arith.cmpi ne, %convert_element_type3A_49, %cond3A_50 : i32
      scf.if %cond3A_51 {
        %dma_start3A = arith.constant 2 : i32
        %dma_start3A_52 = arith.constant 2 : i32
        %dma_start3A_53 = tpu.memref_slice %arg5[%dma_start3A_52] : memref<3x!tpu.dma_semaphore, #tpu.memory_space<semaphore_mem>> -> memref<1x!tpu.dma_semaphore, #tpu.memory_space<semaphore_mem>>
        %dma_start3A_54 = tpu.memref_squeeze %dma_start3A_53 : memref<1x!tpu.dma_semaphore, #tpu.memory_space<semaphore_mem>> -> memref<!tpu.dma_semaphore, #tpu.memory_space<semaphore_mem>>
        %dma_start3A_55 = arith.constant 0 : i32
        %dma_start3A_56 = arith.constant 0 : i32
        %dma_start3A_57 = tpu.memref_slice %arg4[%dma_start3A, %dma_start3A_55, %dma_start3A_56] : memref<3x384x3136xf32, #tpu.memory_space<vmem>> -> memref<1x384x3136xf32, #tpu.memory_space<vmem>>
        %dma_start3A_58 = tpu.memref_squeeze %dma_start3A_57 : memref<1x384x3136xf32, #tpu.memory_space<vmem>> -> memref<384x3136xf32, #tpu.memory_space<vmem>>
        %dma_start3A_59 = arith.constant 0 : i32
        %dma_start3A_60 = arith.constant 0 : i32
        %dma_start3A_61 = tpu.memref_slice %arg1[%sub3A_3, %dma_start3A_59, %dma_start3A_60] : memref<32x384x3136xf32, #tpu.memory_space<any>> -> memref<1x384x3136xf32, #tpu.memory_space<any>>
        %dma_start3A_62 = tpu.memref_squeeze %dma_start3A_61 : memref<1x384x3136xf32, #tpu.memory_space<any>> -> memref<384x3136xf32, #tpu.memory_space<any>>
        tpu.enqueue_dma source(%dma_start3A_62 : memref<384x3136xf32, #tpu.memory_space<any>>) target(%dma_start3A_58 : memref<384x3136xf32, #tpu.memory_space<vmem>>) target_semaphore(%dma_start3A_54 : memref<!tpu.dma_semaphore, #tpu.memory_space<semaphore_mem>>)
      } else {
      }
    } else {
    }
    %rem3A_9 = arith.constant 3 : i32
    %rem3A_10 = arith.remsi %arg0, %rem3A_9 : i32
    %eq3A_11 = arith.constant 0 : i32
    %eq3A_12 = arith.cmpi eq, %rem3A_10, %eq3A_11 : i32
    %convert_element_type3A_13 = arith.extui %eq3A_12 : i1 to i32
    %cond3A_14 = arith.constant 0 : i32
    %cond3A_15 = arith.cmpi ne, %convert_element_type3A_13, %cond3A_14 : i32
    scf.if %cond3A_15 {
      %dma_wait3A = arith.constant 0 : i32
      %dma_wait3A_37 = arith.constant 0 : i32
      %dma_wait3A_38 = tpu.memref_slice %arg5[%dma_wait3A_37] : memref<3x!tpu.dma_semaphore, #tpu.memory_space<semaphore_mem>> -> memref<1x!tpu.dma_semaphore, #tpu.memory_space<semaphore_mem>>
      %dma_wait3A_39 = tpu.memref_squeeze %dma_wait3A_38 : memref<1x!tpu.dma_semaphore, #tpu.memory_space<semaphore_mem>> -> memref<!tpu.dma_semaphore, #tpu.memory_space<semaphore_mem>>
      %dma_wait3A_40 = arith.constant 0 : i32
      %dma_wait3A_41 = arith.constant 0 : i32
      %dma_wait3A_42 = tpu.memref_slice %arg4[%dma_wait3A, %dma_wait3A_40, %dma_wait3A_41] : memref<3x384x3136xf32, #tpu.memory_space<vmem>> -> memref<1x384x3136xf32, #tpu.memory_space<vmem>>
      %dma_wait3A_43 = tpu.memref_squeeze %dma_wait3A_42 : memref<1x384x3136xf32, #tpu.memory_space<vmem>> -> memref<384x3136xf32, #tpu.memory_space<vmem>>
      %dma_wait3A_44 = arith.constant 0 : i32
      %dma_wait3A_45 = arith.constant 0 : i32
      %dma_wait3A_46 = tpu.memref_slice %arg1[%arg0, %dma_wait3A_44, %dma_wait3A_45] : memref<32x384x3136xf32, #tpu.memory_space<any>> -> memref<1x384x3136xf32, #tpu.memory_space<any>>
      %dma_wait3A_47 = tpu.memref_squeeze %dma_wait3A_46 : memref<1x384x3136xf32, #tpu.memory_space<any>> -> memref<384x3136xf32, #tpu.memory_space<any>>
      tpu.wait_dma2 semaphore(%dma_wait3A_39 : memref<!tpu.dma_semaphore, #tpu.memory_space<semaphore_mem>>) src(%dma_wait3A_47 : memref<384x3136xf32, #tpu.memory_space<any>>) dst(%dma_wait3A_43 : memref<384x3136xf32, #tpu.memory_space<vmem>>)
    } else {
    }
    %eq3A_16 = arith.constant 1 : i32
    %eq3A_17 = arith.cmpi eq, %rem3A_10, %eq3A_16 : i32
    %convert_element_type3A_18 = arith.extui %eq3A_17 : i1 to i32
    %cond3A_19 = arith.constant 0 : i32
    %cond3A_20 = arith.cmpi ne, %convert_element_type3A_18, %cond3A_19 : i32
    scf.if %cond3A_20 {
      %dma_wait3A = arith.constant 1 : i32
      %dma_wait3A_37 = arith.constant 1 : i32
      %dma_wait3A_38 = tpu.memref_slice %arg5[%dma_wait3A_37] : memref<3x!tpu.dma_semaphore, #tpu.memory_space<semaphore_mem>> -> memref<1x!tpu.dma_semaphore, #tpu.memory_space<semaphore_mem>>
      %dma_wait3A_39 = tpu.memref_squeeze %dma_wait3A_38 : memref<1x!tpu.dma_semaphore, #tpu.memory_space<semaphore_mem>> -> memref<!tpu.dma_semaphore, #tpu.memory_space<semaphore_mem>>
      %dma_wait3A_40 = arith.constant 0 : i32
      %dma_wait3A_41 = arith.constant 0 : i32
      %dma_wait3A_42 = tpu.memref_slice %arg4[%dma_wait3A, %dma_wait3A_40, %dma_wait3A_41] : memref<3x384x3136xf32, #tpu.memory_space<vmem>> -> memref<1x384x3136xf32, #tpu.memory_space<vmem>>
      %dma_wait3A_43 = tpu.memref_squeeze %dma_wait3A_42 : memref<1x384x3136xf32, #tpu.memory_space<vmem>> -> memref<384x3136xf32, #tpu.memory_space<vmem>>
      %dma_wait3A_44 = arith.constant 0 : i32
      %dma_wait3A_45 = arith.constant 0 : i32
      %dma_wait3A_46 = tpu.memref_slice %arg1[%arg0, %dma_wait3A_44, %dma_wait3A_45] : memref<32x384x3136xf32, #tpu.memory_space<any>> -> memref<1x384x3136xf32, #tpu.memory_space<any>>
      %dma_wait3A_47 = tpu.memref_squeeze %dma_wait3A_46 : memref<1x384x3136xf32, #tpu.memory_space<any>> -> memref<384x3136xf32, #tpu.memory_space<any>>
      tpu.wait_dma2 semaphore(%dma_wait3A_39 : memref<!tpu.dma_semaphore, #tpu.memory_space<semaphore_mem>>) src(%dma_wait3A_47 : memref<384x3136xf32, #tpu.memory_space<any>>) dst(%dma_wait3A_43 : memref<384x3136xf32, #tpu.memory_space<vmem>>)
    } else {
    }
    %eq3A_21 = arith.constant 2 : i32
    %eq3A_22 = arith.cmpi eq, %rem3A_10, %eq3A_21 : i32
    %convert_element_type3A_23 = arith.extui %eq3A_22 : i1 to i32
    %cond3A_24 = arith.constant 0 : i32
    %cond3A_25 = arith.cmpi ne, %convert_element_type3A_23, %cond3A_24 : i32
    scf.if %cond3A_25 {
      %dma_wait3A = arith.constant 2 : i32
      %dma_wait3A_37 = arith.constant 2 : i32
      %dma_wait3A_38 = tpu.memref_slice %arg5[%dma_wait3A_37] : memref<3x!tpu.dma_semaphore, #tpu.memory_space<semaphore_mem>> -> memref<1x!tpu.dma_semaphore, #tpu.memory_space<semaphore_mem>>
      %dma_wait3A_39 = tpu.memref_squeeze %dma_wait3A_38 : memref<1x!tpu.dma_semaphore, #tpu.memory_space<semaphore_mem>> -> memref<!tpu.dma_semaphore, #tpu.memory_space<semaphore_mem>>
      %dma_wait3A_40 = arith.constant 0 : i32
      %dma_wait3A_41 = arith.constant 0 : i32
      %dma_wait3A_42 = tpu.memref_slice %arg4[%dma_wait3A, %dma_wait3A_40, %dma_wait3A_41] : memref<3x384x3136xf32, #tpu.memory_space<vmem>> -> memref<1x384x3136xf32, #tpu.memory_space<vmem>>
      %dma_wait3A_43 = tpu.memref_squeeze %dma_wait3A_42 : memref<1x384x3136xf32, #tpu.memory_space<vmem>> -> memref<384x3136xf32, #tpu.memory_space<vmem>>
      %dma_wait3A_44 = arith.constant 0 : i32
      %dma_wait3A_45 = arith.constant 0 : i32
      %dma_wait3A_46 = tpu.memref_slice %arg1[%arg0, %dma_wait3A_44, %dma_wait3A_45] : memref<32x384x3136xf32, #tpu.memory_space<any>> -> memref<1x384x3136xf32, #tpu.memory_space<any>>
      %dma_wait3A_47 = tpu.memref_squeeze %dma_wait3A_46 : memref<1x384x3136xf32, #tpu.memory_space<any>> -> memref<384x3136xf32, #tpu.memory_space<any>>
      tpu.wait_dma2 semaphore(%dma_wait3A_39 : memref<!tpu.dma_semaphore, #tpu.memory_space<semaphore_mem>>) src(%dma_wait3A_47 : memref<384x3136xf32, #tpu.memory_space<any>>) dst(%dma_wait3A_43 : memref<384x3136xf32, #tpu.memory_space<vmem>>)
    } else {
    }
    %get3A = arith.index_cast %rem3A_10 : i32 to index
    %get3A_26 = arith.constant 0 : index
    %get3A_27 = arith.constant 0 : index
    %get3A_28 = vector.load %arg4[%get3A, %get3A_26, %get3A_27] : memref<3x384x3136xf32, #tpu.memory_space<vmem>>, vector<1x3x3136xf32>
    %get3A_29 = vector.shape_cast %get3A_28 : vector<1x3x3136xf32> to vector<3x3136xf32>
    %mul3A = arith.constant 2.000000e+00 : f32
    %mul3A_30 = vector.broadcast %mul3A : f32 to vector<3x3136xf32>
    %mul3A_31 = arith.mulf %get3A_29, %mul3A_30 : vector<3x3136xf32>
    %swap3A = arith.constant 0 : index
    %swap3A_32 = arith.constant 0 : index
    %swap3A_33 = arith.constant 0 : index
    %swap3A_34 = vector.load %arg3[%swap3A, %swap3A_32, %swap3A_33] : memref<1x3x3136xf32, #tpu.memory_space<vmem>>, vector<1x3x3136xf32>
    %swap3A_35 = vector.shape_cast %swap3A_34 : vector<1x3x3136xf32> to vector<3x3136xf32>
    %swap3A_36 = vector.shape_cast %mul3A_31 : vector<3x3136xf32> to vector<1x3x3136xf32>
    tpu.vector_store %arg3[%swap3A, %swap3A_32, %swap3A_33], %swap3A_36 {strides = array<i32>} : memref<1x3x3136xf32, #tpu.memory_space<vmem>>, vector<1x3x3136xf32>,
    return
  }
  func.func @transform_1(%arg0: i32) -> i32 {
    %c0_i32 = arith.constant 0 : i32
    %c0_i32_0 = arith.constant 0 : i32
    return %c0_i32 : i32
  }
  func.func @transform_2(%arg0: i32) -> (i32, i32, i32) {
    %c0_i32 = arith.constant 0 : i32
    %c0_i32_0 = arith.constant 0 : i32
    %c0_i32_1 = arith.constant 0 : i32
    return %arg0, %c0_i32, %c0_i32_0 : i32, i32, i32
  }
}

</mosaic_0001>

<sc_bundles>
// kernel: kernel.4.cloned.1.call-start
scs
__scs_entry_jumppad:
0x0: {  	(pc) =	sbr.rel $0x88, $3  }
0x1: {  	(tag) =	ssettag $0x0;
	lr =	simm.s32 $0x1  }
0x2: {  	[smem:$0x3F9F] =	sst lr;
	_ =	strace $0xD0000000  }
0x3: {  	_ = 	snop  }
0x4: {  	_ = 	snop  }
0x5: {  	_ = 	snop  }
0x6: {  	_ = 	snop  }
0x7: {  	_ = 	snop  }
__scs_overlays_trampoline_lowered:
0x8: {  	[smem:$0x3FAE] =	sst s0  }
0x9: {  	[smem:$0x3FAF] =	sst s1  }
0xa: {  	[smem:$0x3FB0] =	sst s2  }
0xb: {  	[smem:$0x3FB1] =	sst s3  }
0xc: {  	[smem:$0x3FB2] =	sst s4  }
0xd: {  	[smem:$0x3FB3] =	sst s5  }
0xe: {  	[smem:$0x3FB4] =	sst s6  }
0xf: {  	[smem:$0x3FB5] =	sst s7  }
0x10: {  	[smem:$0x3FB6] =	sst s8  }
0x11: {  	[smem:$0x3FB7] =	sst s9;
	s0 =	simm.s32 @!p0 $0x0  }
0x12: {  	s1 =	sld [smem:$0x3F9D];
	s0 =	simm.s32 @p0 $0x1  }
0x13: {  	[smem:$0x3FB8] =	sst s0;
	s0 =	simm.s32 @!p1 $0x0  }
0x14: {  	s2 =	sld [smem:$0x3F9C];
	s0 =	simm.s32 @p1 $0x1  }
0x15: {  	[smem:$0x3FB9] =	sst s0;
	s0 =	simm.s32 @!p2 $0x0  }
0x16: {  	s3 =	sld [smem:$0x3FDB];
	s0 =	simm.s32 @p2 $0x1  }
0x17: {  	s4 =	simm.s32 $0x1BF5;
	[smem:$0x3FBB] =	sst s0  }
0x18: {  	s0 =	sld [smem:$0x3F9E];
	_ =	swait.ge [sflag:s4], $0x0  }
0x19: {  	s7 =	sld [smem:$0x3F9F]  }
0x1a: {  	s8 =	sadd.s32 $0xFFFFE003, lr  }
0x1b: {  	s9 =	sadd.s32 $0xFFFFFEF7, lr;
	s5 =	simm.s32 $0xFFFFFFFF;
	p2 =	slt.u32 s8, $0xFFFFF086  }
0x1c: {  	p1 =	slt.u32 s9, $0xF7A;
	s5 =	simm.s32 @!p2 $0x0  }
0x1d: {  	s5 =	simm.s32 @p1 $0x1;
	p0 =	seq.s32 s7, s2  }
0x1e: {  	s7 =	smul.u32 @!p0 $0xF7A, s2;
	p2 =	seq.s32 @!p0 s5, $0x0  }
0x1f: {  	s9 =	smul.u32 $0xF7A, s1;
	s8 =	simm.s32 @!p0 $0x1BF5;
	p2 =	por !p2, p0  }
0x20: {  	[sflag:s8] =	ssyncset.s32 @!p0 $0xFFFFF086;
	s6 =	sadd.s32 @!p0 s3, s7;
	s7 =	simm.s32 @!p0 $0x108  }
0x21: {  	s3 =	sadd.s32 s3, s9;
	s6 =	sadd.s32 @!p0 $0x88, s6;
	s7 =	simm.s32 @p2 $0x1082  }
0x22: {  	[simem:s7], [sflag:s8] =	dma.local @!p0 [hbm:s6], $0xF7A  }
0x23: {  	s9 =	sor.u32 $0xD0000000, s2;
	s6 =	simm.s32 $0x108;
	_ =	swait.ge @!p0 [sflag:s8], $0x0  }
0x24: {  	s3 =	sadd.s32 $0x88, s3;
	s6 =	simm.s32 @!p1 $0x1082;
	[sflag:s4] =	ssyncset.s32 $0xFFFFF086  }
0x25: {  	[simem:s6], [sflag:s4] =	dma.local [hbm:s3], $0xF7A  }
0x26: {  	[smem:$0x3F9F] =	sst s1;
	(tag) =	ssettag s2;
	_ =	strace s9  }
0x27: {  	s1 =	sld [smem:$0x3FAF]  }
0x28: {  	s2 =	sld [smem:$0x3FB0]  }
0x29: {  	s4 =	sld [smem:$0x3FB2]  }
0x2a: {  	p0 =	seq.s32 s5, $0x0;
	s5 =	sld [smem:$0x3FB3]  }
0x2b: {  	s6 =	sld [smem:$0x3FB4]  }
0x2c: {  	s7 =	sld [smem:$0x3FB5]  }
0x2d: {  	s3 =	simm.s32 $0x108;
	s8 =	sld [smem:$0x3FB6]  }
0x2e: {  	s3 =	simm.s32 @!p0 $0x1082;
	s9 =	sld [smem:$0x3FB7]  }
0x2f: {  	lr =	sadd.s32 s0, s3;
	s0 =	sld [smem:$0x3FAE]  }
0x30: {  	s3 =	sld [smem:$0x3FB1]  }
0x31: {  	[smem:$0x3FBA] =	sst s10  }
0x32: {  	s10 =	sld [smem:$0x3FB8];
	_ =	sdelay $0x3  }
0x33: {  	p0 =	seq.s32 s10, $0x1;
	s10 =	sld [smem:$0x3FBA];
	_ =	sdelay $0x3  }
0x34: {  	[smem:$0x3FBA] =	sst s10  }
0x35: {  	s10 =	sld [smem:$0x3FB9];
	_ =	sdelay $0x3  }
0x36: {  	p1 =	seq.s32 s10, $0x1;
	s10 =	sld [smem:$0x3FBA];
	_ =	sdelay $0x3  }
0x37: {  	[smem:$0x3FBA] =	sst s10  }
0x38: {  	s10 =	sld [smem:$0x3FBB]  }
0x39: {  	_ = 	snop;
	(pc) =	sbr.ind lr, $3  }
0x3a: {  	_ = 	snop  }
0x3b: {  	_ = 	snop  }
0x3c: {  	p2 =	seq.s32 s10, $0x1;
	s10 =	sld [smem:$0x3FBA]  }
0x3d: {  	_ =	shalt  }
0x3e: {  	_ =	shalt  }
0x3f: {  	_ =	shalt  }
0x40: {  	_ =	shalt  }
0x41: {  	_ =	shalt  }
0x42: {  	_ =	shalt  }
0x43: {  	_ =	shalt  }
0x44: {  	_ =	shalt  }
0x45: {  	_ =	shalt  }
0x46: {  	_ =	shalt  }
0x47: {  	_ =	shalt  }
0x48: {  	_ =	shalt  }
0x49: {  	_ =	shalt  }
0x4a: {  	_ =	shalt  }
0x4b: {  	_ =	shalt  }
0x4c: {  	_ =	shalt  }
0x4d: {  	_ =	shalt  }
0x4e: {  	_ =	shalt  }
0x4f: {  	_ =	shalt  }
0x50: {  	_ =	shalt  }
0x51: {  	_ =	shalt  }
0x52: {  	_ =	shalt  }
0x53: {  	_ =	shalt  }
0x54: {  	_ =	shalt  }
0x55: {  	_ =	shalt  }
0x56: {  	_ =	shalt  }
0x57: {  	_ =	shalt  }
0x58: {  	_ =	shalt  }
0x59: {  	_ =	shalt  }
0x5a: {  	_ =	shalt  }
0x5b: {  	_ =	shalt  }
0x5c: {  	_ =	shalt  }
0x5d: {  	_ =	shalt  }
0x5e: {  	_ =	shalt  }
0x5f: {  	_ =	shalt  }
0x60: {  	_ =	shalt  }
0x61: {  	_ =	shalt  }
0x62: {  	_ =	shalt  }
0x63: {  	_ =	shalt  }
0x64: {  	_ =	shalt  }
0x65: {  	_ =	shalt  }
0x66: {  	_ =	shalt  }
0x67: {  	_ =	shalt  }
0x68: {  	_ =	shalt  }
0x69: {  	_ =	shalt  }
0x6a: {  	_ =	shalt  }
0x6b: {  	_ =	shalt  }
0x6c: {  	_ =	shalt  }
0x6d: {  	_ =	shalt  }
0x6e: {  	_ =	shalt  }
0x6f: {  	_ =	shalt  }
0x70: {  	_ =	shalt  }
0x71: {  	_ =	shalt  }
0x72: {  	_ =	shalt  }
0x73: {  	_ =	shalt  }
0x74: {  	_ =	shalt  }
0x75: {  	_ =	shalt  }
0x76: {  	_ =	shalt  }
0x77: {  	_ =	shalt  }
0x78: {  	_ =	shalt  }
0x79: {  	_ =	shalt  }
0x7a: {  	_ =	shalt  }
0x7b: {  	_ =	shalt  }
0x7c: {  	_ =	shalt  }
0x7d: {  	_ =	shalt  }
0x7e: {  	_ =	shalt  }
0x7f: {  	_ =	shalt  }
0x80: {  	_ =	shalt  }
0x81: {  	_ =	shalt  }
0x82: {  	_ =	shalt  }
0x83: {  	_ =	shalt  }
0x84: {  	_ =	shalt  }
0x85: {  	_ =	shalt  }
0x86: {  	_ =	shalt  }
0x87: {  	_ =	shalt  }
.Lfunc_end0:
.L_simem_size_0:
called_computation.1_lowered:
.L_overlay_start_0:
0x88: {  	s2 =	sld [smem:$0x3FD9]  }
0x89: {  	s3 =	sld [smem:$0x3FFE];
	_ =	sdelay $0x1  }
0x8a: {  	s1 =	srdreg.scid  }
0x8b: {  	s0 =	sand.u32 $0x1, s1  }
0x8c: {  	s17 =	sshll.u32 s0, $0xA;
	s2 =	sadd.s32 s3, s2  }
0x8d: {  	s2 =	sadd.s32 s2, s17  }
0x8e: {  	[smem:$0x3FC6] =	sst s2  }
0x8f: {  	_ = 	snop  }
0x90: {  	s2 =	sld [smem:$0x3FD0];
	(tm) =	ssettm $0x1  }
0x91: {  	s18 =	sld [smem:$0x3FFB];
	_ =	sdelay $0x3  }
0x92: {  	_ =	strace s18  }
0x93: {  	s3 =	sld [smem:$0x3FFC];
	_ =	sdelay $0x3  }
0x94: {  	_ =	strace s3  }
0x95: {  	s3 =	sld [smem:$0x3FFD];
	_ =	sdelay $0x3  }
0x96: {  	_ =	strace s3  }
0x97: {  	_ =	strace $0x8FFFFFFF  }
0x98: {  	s19 =	sld [smem:$0x3FDB];
	_ =	sdelay $0x1  }
0x99: {  	s4 =	simm.s32 $_scs_section_size  }
0x9a: {  	s5 =	simm.s32 $_size__tile_overlayer_lowered;
	s6 =	simm.s32 $_tile_overlayer_lowered  }
0x9b: {  	s22 =	simm.s32 $0x1BFF;
	s21 =	sshll.u32 s6, $0x1;
	s3 =	sadd.s32 s4, s19  }
0x9c: {  	s7 =	simm.s32 $0x0;
	s20 =	sshll.u32 s5, $0x1;
	s5 =	sadd.s32 s21, s3  }
0x9d: {  	[timem:s7], [sflag:s22] =	dma.local [hbm:s5], s20  }
0x9e: {  	_ =	swait.ge [sflag:s22], s20  }
0x9f: {  	s4 =	ssub.s32 $0x0, s20;
	[sflag:s22] =	ssyncset.done $0x0  }
0xa0: {  	[sflag:s22] =	ssyncadd.s32 s4;
	_ =	sdelay $0x1  }
0xa1: {  	s23 =	simm.s32 $0x1B8B  }
0xa2: {  	_ =	swait.ge [sflag:s23], $0x1  }
0xa3: {  	[sflag:s23] =	ssyncset.done $0x0  }
0xa4: {  	s25 =	simm.s32 $0x1B8E;
	s24 =	sld [smem:$0x3FFE];
	[sflag:s23] =	ssyncadd.s32 $0xFFFFFFFF  }
0xa5: {  	s26 =	simm.s32 $execute0_lowered;
	[smem:$0x3FD2] =	sst s25  }
0xa6: {  	s5 =	sshll.u32 s26, $0x1;
	_ =	strace $0x80000049;
	[dreg:$0x1] =	wrdreg $0xFFFFFFFF  }
0xa7: {  	s28 =	simm.s32 $_size_execute0_lowered;
	s3 =	sadd.s32 s3, s5;
	[dreg:$0x0] =	wrdreg $0x0  }
0xa8: {  	s5 =	sshll.u32 s28, $0x1;
	[dreg:$0x2] =	wrdreg s3  }
0xa9: {  	[dreg:$0x3] =	wrdreg s5  }
0xaa: {  	[dreg:$0x4] =	wrdreg $0xC0  }
0xab: {  	_ =	task [dreg:s7], $0x5FFFF  }
0xac: {  	[dreg:$0x1] =	wrdreg $0xFFFFFFFF  }
0xad: {  	[dreg:$0x0] =	wrdreg $0x60  }
0xae: {  	[dreg:$0x2] =	wrdreg s24  }
0xaf: {  	[dreg:$0x3] =	wrdreg s2  }
0xb0: {  	[dreg:$0x4] =	wrdreg $0x9  }
0xb1: {  	_ =	task.clear_ibuf [dreg:s7], $0x5FFFF;
	_ =	strace $0x90000049  }
0xb2: {  	s29 =	simm.s32 $0x9;
	_ =	strace $0x8000004B  }
0xb3: {  	_ =	swait.ge [sflag:s29], $0x1  }
0xb4: {  	[sflag:s29] =	ssyncadd.s32 $0xFFFFFFFF  }
0xb5: {  	_ =	strace $0x9000004B  }
0xb6: {  	_ =	sfence  }
0xb7: {  	s30 =	sld [smem:$0x0];
	_ =	sdelay $0x2  }
0xb8: {  	s31 =	sshll.u32 s1, $0xD;
	s1 =	sshrl.u32 s1, $0x2  }
0xb9: {  	s3 =	sand.u32 $0x4000, s31;
	s1 =	sadd.s32 s1, s30  }
0xba: {  	s0 =	sor.u32 s3, s0;
	s1 =	sshll.u32 s1, $0x11  }
0xbb: {  	s0 =	sor.u32 s1, s0  }
0xbc: {  	s0 =	sadd.s32 $0x8F2B, s0  }
0xbd: {  	[sflag:s0] =	ssyncadd.remote.s32 $0x1  }
0xbe: {  	_ =	sfence.sel $0xFFFF  }
0xbf: {  	[dreg:$0x0] =	wrdreg $0xFFFFFFFF;
	(pc) =	sbr.abs _section_cstart, $3  }
0xc0: {  	[dreg:$0x1] =	wrdreg $0xFFFFFFFF  }
0xc1: {  	_ =	task.clear_ibuf [dreg:s7], $0x2FFFF;
	_ =	strace $0x9FFFFFFF  }
0xc2: {  	(tm) =	ssettm $0x7FFFFFFF  }
0xc3: {  	_ =	shalt  }
tec
execute0_lowered:
.L_overlay_start_1:
0x0: {  	(tag) =	ssettag $0x1  }
0x1: {  	s1 =	srdreg.scid;
	s0 =	stileid.u32  }
0x2: {  	s11 =	sand.u32 $0x1, s1;
	s30 =	sshll.u32 s0, $0x1  }
0x3: {  	s12 =	sor.u32 s11, s30  }
0x4: {  	s1 =	smul.u32 $0x50, s12;
	_ =	sdelay $0x1  }
0x5: {  	s1 =	sshrl.u32 s1, $0x3  }
0x6: {  	s3 =	rddreg [dreg:$0x0];
	s4 =	smul.u32 $0xC80, s1  }
0x7: {  	s13 =	rddreg [dreg:$0x1];
	s2 =	simm.s32 $0x0  }
0x8: {  	[smem:$0x7FF] =	sst s2;
	s10 =	sadd.s32 s4, s3  }
0x9: {  	s1 =	rddreg [dreg:$0x2];
	_ =	strace $0x8000004A;
	s3 =	sadd.s32 $0xE36A00, s10  }
0xa: {  	[tilespmem:s2], [sflag:$0x1] =	stream.linear.gather [hbm4b:s3+s2], $0xC800, $0x38;
	[tilespmem:$0x19000] =	vst v63  }
0xb: {  	s5 =	simm.s32 $0xC800;
	s6 =	simm.s32 $0x1;
	s4 =	sadd.s32 $0xE38300, s10  }
0xc: {  	[tilespmem:s5], [sflag:$0x2] =	stream.linear.gather [hbm4b:s4+s2], $0xC800, $0x38;
	[tilespmem:$0x19000] =	vst v63  }
0xd: {  	_ =	swait.ge [sflag:s6], $0xC800  }
0xe: {  	[sflag:s6] =	ssyncset.done $0x0  }
0xf: {  	s8 =	simm.s32 $0x2;
	s7 =	sadd.s32 $0xE39C00, s10;
	[sflag:s6] =	ssyncadd.s32 $0xFFFF3800  }
0x10: {  	[tilespmem:s2], [sflag:$0x1] =	stream.linear.gather [hbm4b:s7+s2], $0xC800, $0x38;
	[tilespmem:$0x19000] =	vst v63  }
0x11: {  	_ =	swait.ge [sflag:s8], $0xC800  }
0x12: {  	[sflag:s8] =	ssyncset.done $0x0  }
0x13: {  	s9 =	sadd.s32 $0xE3B500, s10;
	[sflag:s8] =	ssyncadd.s32 $0xFFFF3800  }
0x14: {  	[tilespmem:s5], [sflag:$0x2] =	stream.linear.gather [hbm4b:s9+s2], $0xC800, $0x38;
	[tilespmem:$0x19000] =	vst v63  }
0x15: {  	_ =	swait.ge [sflag:s6], $0xC800  }
0x16: {  	s11 =	ssub.s32 $0x2, s11;
	[sflag:s6] =	ssyncset.done $0x0  }
0x17: {  	s14 =	sshrl.u32 s11, $0x1;
	s10 =	sadd.s32 $0xE3CE00, s10;
	[sflag:s6] =	ssyncadd.s32 $0xFFFF3800  }
0x18: {  	[tilespmem:s2], [sflag:$0x1] =	stream.linear.gather [hbm4b:s10+s2], $0xC800, $0x38;
	[tilespmem:$0x19000] =	vst v63  }
0x19: {  	s12 =	smul.u32 $0xC80, s12;
	s14 =	ssub.s32 s11, s14;
	_ =	swait.ge [sflag:s8], $0xC800  }
0x1a: {  	s31 =	smax.u32 s14, $0x1;
	[sflag:s8] =	ssyncset.done $0x0  }
0x1b: {  	s11 =	sadd.s32 s13, s12;
	s13 =	sadd.s32 $0xFFFFFFFF, s31;
	[sflag:s8] =	ssyncadd.s32 $0xFFFF3800  }
0x1c: {  	p1 =	sne.s32 s13, $0x0;
	_ =	swait.ge [sflag:s6], $0xC800  }
.Ltmp0:
0x1d: {  	p0 =	sgt.u32 s0, $0x5;
	[sflag:s6] =	ssyncset.done $0x0;
	(pc) =	sbr.rel @!p1 .LBB2_2-.Ltmp0, $4  }
0x1e: {  	s14 =	simm.s32 @!p0 $0x0;
	s12 =	simm.s32 @!p0 $0x3;
	[sflag:s6] =	ssyncadd.s32 $0xFFFF3800  }
0x1f: {  	[hbm4b:s11+s14] =	stream.linear.scatter @!p0 [tilespmem:s14], [sflag:$0x3], $0x6400, $0x38;
	[tilespmem:$0x19000] =	vst v63  }
0x20: {  	_ =	swait.ge @!p0 [sflag:s12], $0x6400  }
0x21: {  	[sflag:s12] =	ssyncset.done @!p0 $0x0  }
.LBB2_1:
0x22: {  	s13 =	sadd.s32 $0xFFFFFFFF, s13;
	[sflag:s12] =	ssyncadd.s32 @!p0 $0xFFFF9C00  }
0x23: {  	[tilespmem:s2], [sflag:$0x1] =	stream.linear.gather [hbm4b:s3+s2], $0xC800, $0x38;
	[tilespmem:$0x19000] =	vst v63  }
0x24: {  	p1 =	sne.s32 s13, $0x0  }
0x25: {  	[tilespmem:s5], [sflag:$0x2] =	stream.linear.gather [hbm4b:s4+s2], $0xC800, $0x38;
	[tilespmem:$0x19000] =	vst v63  }
0x26: {  	_ =	swait.ge [sflag:s6], $0xC800  }
0x27: {  	[sflag:s6] =	ssyncset.done $0x0  }
0x28: {  	[sflag:s6] =	ssyncadd.s32 $0xFFFF3800  }
0x29: {  	[tilespmem:s2], [sflag:$0x1] =	stream.linear.gather [hbm4b:s7+s2], $0xC800, $0x38;
	[tilespmem:$0x19000] =	vst v63  }
0x2a: {  	_ =	swait.ge [sflag:s8], $0xC800  }
0x2b: {  	[sflag:s8] =	ssyncset.done $0x0  }
0x2c: {  	[sflag:s8] =	ssyncadd.s32 $0xFFFF3800  }
0x2d: {  	[tilespmem:s5], [sflag:$0x2] =	stream.linear.gather [hbm4b:s9+s2], $0xC800, $0x38;
	[tilespmem:$0x19000] =	vst v63  }
0x2e: {  	_ =	swait.ge [sflag:s6], $0xC800  }
0x2f: {  	[sflag:s6] =	ssyncset.done $0x0  }
0x30: {  	[sflag:s6] =	ssyncadd.s32 $0xFFFF3800  }
0x31: {  	[tilespmem:s2], [sflag:$0x1] =	stream.linear.gather [hbm4b:s10+s2], $0xC800, $0x38;
	[tilespmem:$0x19000] =	vst v63  }
0x32: {  	_ =	swait.ge [sflag:s8], $0xC800  }
0x33: {  	[sflag:s8] =	ssyncset.done $0x0  }
0x34: {  	[sflag:s8] =	ssyncadd.s32 $0xFFFF3800  }
0x35: {  	_ =	swait.ge [sflag:s6], $0xC800  }
.Ltmp1:
0x36: {  	[sflag:s6] =	ssyncset.done $0x0;
	(pc) =	sbr.rel @p1 .LBB2_1-.Ltmp1, $4  }
0x37: {  	[sflag:s6] =	ssyncadd.s32 $0xFFFF3800  }
0x38: {  	[hbm4b:s11+s14] =	stream.linear.scatter @!p0 [tilespmem:s14], [sflag:$0x3], $0x6400, $0x38;
	[tilespmem:$0x19000] =	vst v63  }
0x39: {  	_ =	swait.ge @!p0 [sflag:s12], $0x6400  }
0x3a: {  	[sflag:s12] =	ssyncset.done @!p0 $0x0  }
.LBB2_2:
0x3b: {  	[sflag:s12] =	ssyncadd.s32 @!p0 $0xFFFF9C00  }
0x3c: {  	_ =	sfence.sel $0x180000  }
0x3d: {  	[bflag:$0x0] =	sbarrier.arrive $0xFFFF  }
0x3e: {  	p0 =	sne.s32 s0, $0x0;
	_ =	strace $0x9000004A  }
0x3f: {  	s0 =	sadd.s32 @!p0 $0x100000, s1;
	[bflag:$0x2] =	sbarrier.arrive $0xFFFF  }
0x40: {  	[sflag:s0] =	ssyncadd.tile.s32 @!p0 $0x1;
	_ =	shalt  }
.Lfunc_end2:
_tile_overlayer_lowered:
.L_overlay_start_2:
0x41: {  	(tag) =	ssettag $0x2  }
0x42: {  	s0 =	rddreg [dreg:$0x0];
	s2 =	stileid.u32  }
0x43: {  	s1 =	rddreg [dreg:$0x1];
	p0 =	sne.s32 s2, $0x0  }
0x44: {  	s3 =	rddreg [dreg:$0x2];
	[bflag:$0x3] =	sbarrier.arrive $0xFFFF;
	s2 =	simm.s32 @!p0 $0x1C03  }
0x45: {  	[timem:s3], [sflag:s2] =	dma.local @!p0 [hbm:s0], s1  }
0x46: {  	s0 =	simm.s32 @!p0 $0x3  }
0x47: {  	_ =	swait.ge @!p0 [sflag:s0], s1  }
0x48: {  	s1 =	ssub.s32 @!p0 $0x0, s1;
	[sflag:s0] =	ssyncset.done @!p0 $0x0  }
0x49: {  	[sflag:s0] =	ssyncadd.s32 @!p0 s1  }
0x4a: {  	[bflag:$0x3] =	sbarrier.arrive $0xFFFF  }
0x4b: {  	_ =	shalt  }

// kernel: sparse-core-data-format-call.cloned.1.call-start
scs
called_computation_lowered:
.L_overlay_start_0:
0x0: {  	s2 =	sld [smem:$0x3FD9]  }
0x1: {  	s3 =	sld [smem:$0x3FFE];
	_ =	sdelay $0x1  }
0x2: {  	s1 =	srdreg.scid  }
0x3: {  	s0 =	sand.u32 $0x1, s1  }
0x4: {  	s18 =	sshll.u32 s0, $0xA;
	s2 =	sadd.s32 s3, s2  }
0x5: {  	s2 =	sadd.s32 s2, s18  }
0x6: {  	[smem:$0x3FC6] =	sst s2  }
0x7: {  	_ = 	snop  }
0x8: {  	s2 =	sld [smem:$0x3FC9];
	(tm) =	ssettm $0x1  }
0x9: {  	s19 =	sld [smem:$0x3FFB];
	_ =	sdelay $0x3  }
0xa: {  	_ =	strace s19  }
0xb: {  	s3 =	sld [smem:$0x3FFC];
	_ =	sdelay $0x3  }
0xc: {  	_ =	strace s3  }
0xd: {  	s3 =	sld [smem:$0x3FFD];
	_ =	sdelay $0x3  }
0xe: {  	_ =	strace s3  }
0xf: {  	_ =	strace $0x8FFFFFFF  }
0x10: {  	s20 =	sld [smem:$0x3FDB];
	_ =	sdelay $0x1  }
0x11: {  	s4 =	simm.s32 $_scs_section_size  }
0x12: {  	s5 =	simm.s32 $_size__tile_overlayer_lowered;
	s6 =	simm.s32 $_tile_overlayer_lowered  }
0x13: {  	s23 =	simm.s32 $0x1BFF;
	s22 =	sshll.u32 s6, $0x1;
	s3 =	sadd.s32 s4, s20  }
0x14: {  	s7 =	simm.s32 $0x0;
	s21 =	sshll.u32 s5, $0x1;
	s5 =	sadd.s32 s22, s3  }
0x15: {  	[timem:s7], [sflag:s23] =	dma.local [hbm:s5], s21  }
0x16: {  	_ =	swait.ge [sflag:s23], s21  }
0x17: {  	s4 =	ssub.s32 $0x0, s21;
	[sflag:s23] =	ssyncset.done $0x0  }
0x18: {  	[sflag:s23] =	ssyncadd.s32 s4;
	_ =	sdelay $0x1  }
0x19: {  	s24 =	simm.s32 $0x1B8B  }
0x1a: {  	_ =	swait.ge [sflag:s24], $0x1  }
0x1b: {  	[sflag:s24] =	ssyncset.done $0x0  }
0x1c: {  	s26 =	simm.s32 $0x1B8E;
	s25 =	sld [smem:$0x3FFE];
	[sflag:s24] =	ssyncadd.s32 $0xFFFFFFFF  }
0x1d: {  	s27 =	simm.s32 $execute0_lowered;
	[smem:$0x3FD2] =	sst s26  }
0x1e: {  	s5 =	sshll.u32 s27, $0x1;
	_ =	strace $0x80000046;
	[dreg:$0x1] =	wrdreg $0xFFFFFFFF  }
0x1f: {  	s28 =	simm.s32 $_size_execute0_lowered;
	s3 =	sadd.s32 s3, s5;
	[dreg:$0x0] =	wrdreg $0x0  }
0x20: {  	s5 =	sshll.u32 s28, $0x1;
	[dreg:$0x2] =	wrdreg s3  }
0x21: {  	[dreg:$0x3] =	wrdreg s5  }
0x22: {  	[dreg:$0x4] =	wrdreg $0xC0  }
0x23: {  	_ =	task [dreg:s7], $0x5FFFF  }
0x24: {  	[dreg:$0x1] =	wrdreg $0xFFFFFFFF  }
0x25: {  	[dreg:$0x0] =	wrdreg $0x60  }
0x26: {  	[dreg:$0x2] =	wrdreg s2  }
0x27: {  	[dreg:$0x3] =	wrdreg s25  }
0x28: {  	[dreg:$0x4] =	wrdreg $0x9  }
0x29: {  	_ =	task.clear_ibuf [dreg:s7], $0x5FFFF;
	_ =	strace $0x90000046  }
0x2a: {  	s29 =	simm.s32 $0x9;
	_ =	strace $0x80000048  }
0x2b: {  	_ =	swait.ge [sflag:s29], $0x1  }
0x2c: {  	[sflag:s29] =	ssyncadd.s32 $0xFFFFFFFF  }
0x2d: {  	_ =	strace $0x90000048  }
0x2e: {  	_ =	sfence  }
0x2f: {  	s30 =	sld [smem:$0x0];
	_ =	sdelay $0x2  }
0x30: {  	s31 =	sshll.u32 s1, $0xD;
	s1 =	sshrl.u32 s1, $0x2  }
0x31: {  	s3 =	sand.u32 $0x4000, s31;
	s1 =	sadd.s32 s1, s30  }
0x32: {  	s0 =	sor.u32 s3, s0;
	s1 =	sshll.u32 s1, $0x11  }
0x33: {  	s0 =	sor.u32 s1, s0  }
0x34: {  	s0 =	sadd.s32 $0x8F2B, s0  }
0x35: {  	[sflag:s0] =	ssyncadd.remote.s32 $0x1  }
0x36: {  	_ =	sfence.sel $0xFFFF  }
0x37: {  	[dreg:$0x0] =	wrdreg $0xFFFFFFFF;
	(pc) =	sbr.abs _section_cstart, $3  }
0x38: {  	[dreg:$0x1] =	wrdreg $0xFFFFFFFF  }
0x39: {  	_ =	task.clear_ibuf [dreg:s7], $0x2FFFF;
	_ =	strace $0x9FFFFFFF  }
0x3a: {  	(tm) =	ssettm $0x7FFFFFFF  }
0x3b: {  	_ =	shalt  }
tec
execute0_lowered:
.L_overlay_start_1:
0x0: {  	(tag) =	ssettag $0x1  }
0x1: {  	s2 =	rddreg [dreg:$0x0]  }
0x2: {  	s1 =	rddreg [dreg:$0x1]  }
0x3: {  	s0 =	rddreg [dreg:$0x2]  }
0x4: {  	s4 =	srdreg.scid;
	_ =	strace $0x80000047;
	s6 =	simm.s32 $0x2  }
0x5: {  	s14 =	simm.s32 $0x0;
	p0 =	por $0x0, $0x0;
	s7 =	simm.s32 $0x1C00  }
0x6: {  	s13 =	simm.s32 $0x0;
	s16 =	simm.s32 $0x0;
	s15 =	simm.s32 $0x0  }
.Ltmp0:
0x7: {  	s9 =	simm.s32 $0x0;
	s10 =	simm.s32 $0x0;
	(pc) =	sbr.rel .LBB1_1-.Ltmp0, $4  }
0x8: {  	s11 =	simm.s32 $0x0;
	s3 =	sadd.s32 $0xA00, s1;
	s4 =	sshll.u32 s4, $0x4  }
0x9: {  	s1 =	stileid.u32;
	s5 =	sand.u32 $0x10, s4;
	s4 =	simm.s32 $0x1  }
0xa: {  	s8 =	simm.s32 $0x0;
	s5 =	sor.u32 s1, s5;
	[sflag:s4] =	ssyncpa.u1 $0x0  }
0xb: {  	[sflag:s6] =	ssyncpa.u1 $0x0;
	s6 =	simm.s32 $0xC00;
	s12 =	smov.u32 s5  }
.LBB1_3:
0xc: {  	p1 =	seq.s32 s8, $0x0  }
0xd: {  	p2 =	seq.s32 @!p1 s8, $0xA9  }
0xe: {  	p1 =	por p1, p2  }
.Ltmp1:
0xf: {  	_ = 	snop;
	(pc) =	sbr.rel @!p1 .LBB1_4-.Ltmp1, $1  }
0x10: {  	_ =	sdelay $0x3  }
.LBB1_7:
0x11: {  	s17 =	sadd.s32 $0x80, s9  }
0x12: {  	s13 =	sadd.s32 $0x40, s10;
	s18 =	smov.u32 s10;
	p2 =	sgt.s32 s17, $0x17F  }
0x13: {  	s18 =	smov.u32 @p2 s13  }
0x14: {  	s13 =	simm.s32 $0x1;
	p3 =	sgt.s32 s18, $0x37  }
0x15: {  	s13 =	simm.s32 @!p3 $0x0  }
0x16: {  	s19 =	sadd.s32 s13, s11  }
0x17: {  	s20 =	smov.u32 s12;
	s13 =	sadd.s32 $0x20, s12;
	p4 =	sgt.s32 s19, $0x37  }
0x18: {  	p1 =	slt.u32 s8, $0x2;
	s20 =	smov.u32 @p4 s13  }
0x19: {  	s8 =	sadd.s32 $0x1, s8;
	s17 =	simm.s32 @p2 $0x0;
	p2 =	sgt.s32 s20, $0x1F  }
0x1a: {  	s14 =	smov.u32 s9;
	s20 =	smov.u32 @p2 s5;
	p2 =	sne.s32 s8, $0xAA  }
.Ltmp2:
0x1b: {  	s16 =	smov.u32 s11;
	s21 =	simm.s32 @!p1 $0x2;
	(pc) =	sbr.rel @!p2 .LBB1_8-.Ltmp2, $4  }
0x1c: {  	s15 =	smov.u32 s12;
	p0 =	por !p0, !p0;
	_ =	swait.ge @!p1 [sflag:s21], $0x2000  }
0x1d: {  	[sflag:s21] =	ssyncset.done @!p1 $0x0;
	s9 =	smov.u32 s17;
	s18 =	simm.s32 @p3 $0x0  }
0x1e: {  	[sflag:s21] =	ssyncadd.s32 @!p1 $0xFFFFE000;
	s19 =	simm.s32 @p4 $0x0;
	s13 =	smov.u32 s10  }
0x1f: {  	s10 =	smov.u32 s18;
	s11 =	smov.u32 s19;
	s12 =	smov.u32 s20  }
.LBB1_1:
0x20: {  	p1 =	sgt.u32 s8, $0xA7  }
.Ltmp3:
0x21: {  	_ = 	snop;
	(pc) =	sbr.rel @p1 .LBB1_3-.Ltmp3, $1  }
0x22: {  	_ =	sdelay $0x3  }
0x23: {  	s17 =	sshrl.u32 s10, $0x3  }
0x24: {  	s18 =	sshll.u32 s9, $0x3;
	s17 =	smul.u32 $0xC00, s17  }
0x25: {  	s19 =	sshll.u32 s10, $0x7;
	s18 =	sand.u32 $0xFFFFFC00, s18  }
0x26: {  	s24 =	sand.u32 $0x380, s19;
	s17 =	sadd.s32 s17, s18  }
0x27: {  	s25 =	sand.u32 $0x7F, s9;
	s17 =	sor.u32 s24, s17  }
0x28: {  	p1 =	sgt.s32 s12, $0x1F;
	s20 =	smov.u32 s12;
	s18 =	sor.u32 s25, s17  }
0x29: {  	s21 =	sshra.s32 s12, $0x1F;
	s22 =	sxor.u32 $0xFFFFFFFF, s8;
	s19 =	smulhi.u32 $0xAAAAAAAB, s18  }
0x2a: {  	s28 =	sshra.s32 s11, $0x1F;
	s20 =	simm.s32 @!p1 $0x1F;
	s21 =	sand.u32 s21, s12  }
0x2b: {  	s23 =	sshra.s32 s10, $0x1F;
	s20 =	ssub.s32 s20, s21;
	s19 =	sshrl.u32 s19, $0x8  }
0x2c: {  	s31 =	sshra.s32 s9, $0x1F;
	s27 =	sadd.s32 $0xFFFFFFE1, s20;
	s19 =	smul.u32 $0x180, s19  }
0x2d: {  	s26 =	sshll.u32 s22, $0xD;
	s22 =	sand.u32 s28, s11;
	p1 =	sgt.s32 s27, $0x0  }
0x2e: {  	s17 =	smulhi.u32 $0xAAAAAAAB, s17;
	s18 =	ssub.s32 s18, s19;
	s19 =	ssub.s32 $0x20, s20  }
0x2f: {  	s20 =	smov.u32 s11;
	s19 =	simm.s32 @p1 $0x0;
	p1 =	sgt.s32 s11, $0x37  }
0x30: {  	s23 =	sand.u32 s23, s10;
	s17 =	sshrl.u32 s17, $0x8;
	s20 =	simm.s32 @!p1 $0x37  }
0x31: {  	p1 =	sgt.s32 s10, $0xFFFFFFF8;
	s20 =	ssub.s32 s20, s22;
	s22 =	smov.u32 s10  }
0x32: {  	s29 =	smulhi.u32 $0x4924925, s17;
	s24 =	sadd.s32 $0xFFFFFFC9, s20;
	s22 =	simm.s32 @!p1 $0xFFFFFFF8  }
0x33: {  	s20 =	ssub.s32 $0x38, s20;
	p1 =	sgt.s32 s24, $0x0;
	s22 =	ssub.s32 s22, s23  }
0x34: {  	s23 =	smul.u32 $0x38, s29;
	s20 =	simm.s32 @p1 $0x0;
	s30 =	sadd.s32 $0x8, s22  }
0x35: {  	s19 =	smul.u32 s19, s20;
	p1 =	sgt.s32 s30, $0x3F;
	s20 =	ssub.s32 $0x38, s22  }
0x36: {  	s22 =	smov.u32 s9;
	s20 =	simm.s32 @p1 $0x0;
	p1 =	sgt.s32 s9, $0x100  }
0x37: {  	s27 =	smul.u32 $0xA80, s11;
	s24 =	sand.u32 s31, s9;
	s22 =	simm.s32 @!p1 $0x100  }
0x38: {  	s17 =	ssub.s32 s17, s23;
	s19 =	smul.u32 s20, s19;
	s25 =	ssub.s32 s22, s24  }
0x39: {  	s20 =	sand.u32 $0x2000, s26;
	s26 =	smul.u32 $0x24C00, s12;
	s22 =	sadd.s32 $0xFFFFFF00, s25  }
0x3a: {  	s17 =	smul.u32 $0x30, s17;
	s21 =	ssub.s32 $0x180, s25;
	p1 =	sgt.s32 s22, $0x7F  }
.Ltmp4:
0x3b: {  	s23 =	sadd.s32 s2, s26;
	s21 =	simm.s32 @p1 $0x0;
	(pc) =	sbr.rel .LBB1_3-.Ltmp4, $4  }
0x3c: {  	s29 =	sand.u32 $0x7, s18;
	s28 =	sadd.s32 s27, s23;
	s19 =	smul.u32 s21, s19  }
0x3d: {  	s18 =	sshrl.u32 s18, $0x3;
	s30 =	sshll.u32 s29, $0x12;
	s17 =	sadd.s32 s17, s28  }
0x3e: {  	s31 =	sor.u32 $0x400, s30;
	s17 =	sadd.s32 s18, s17;
	s19 =	sand.u32 $0x3FFFFFFF, s19  }
0x3f: {  	[tilespmem:s20], [sflag:$0x1] =	stream.strided.gather [hbm4b:s17+s31], s19, s6, s31, $0x38;
	[tilespmem:$0x8100] =	vst v63  }
.LBB1_4:
0x40: {  	p1 =	sgt.s32 s15, $0x1F;
	s17 =	smov.u32 s15;
	s18 =	sshra.s32 s15, $0x1F  }
0x41: {  	s19 =	smov.u32 s16;
	s20 =	sshra.s32 s16, $0x1F;
	s25 =	sshra.s32 s13, $0x1F  }
0x42: {  	s17 =	simm.s32 @!p1 $0x1F;
	s18 =	sand.u32 s18, s15;
	p1 =	sgt.s32 s16, $0x37  }
0x43: {  	s23 =	sand.u32 s20, s16;
	s17 =	ssub.s32 s17, s18;
	s19 =	simm.s32 @!p1 $0x37  }
0x44: {  	s27 =	sshra.s32 s14, $0x1F;
	s24 =	sadd.s32 $0xFFFFFFE1, s17;
	s18 =	ssub.s32 s19, s23  }
0x45: {  	s17 =	ssub.s32 $0x20, s17;
	p1 =	sgt.s32 s24, $0x0;
	s19 =	sadd.s32 $0xFFFFFFC9, s18  }
0x46: {  	s18 =	ssub.s32 $0x38, s18;
	s17 =	simm.s32 @p1 $0x0;
	p1 =	sgt.s32 s19, $0x0  }
0x47: {  	s19 =	smov.u32 s13;
	s18 =	simm.s32 @p1 $0x0;
	p1 =	sgt.s32 s13, $0xFFFFFFF8  }
0x48: {  	s26 =	sand.u32 s25, s13;
	s17 =	smul.u32 s17, s18;
	s19 =	simm.s32 @!p1 $0xFFFFFFF8  }
0x49: {  	p1 =	sgt.s32 s14, $0x100;
	s18 =	ssub.s32 s19, s26;
	s19 =	smov.u32 s14  }
0x4a: {  	s20 =	sand.u32 s27, s14;
	s21 =	sadd.s32 $0x8, s18;
	s19 =	simm.s32 @!p1 $0x100  }
0x4b: {  	s18 =	ssub.s32 $0x38, s18;
	p1 =	sgt.s32 s21, $0x3F;
	s19 =	ssub.s32 s19, s20  }
0x4c: {  	s18 =	simm.s32 @p1 $0x0;
	s20 =	sadd.s32 $0xFFFFFF00, s19  }
0x4d: {  	s17 =	smul.u32 s18, s17;
	p1 =	sgt.s32 s20, $0x7F;
	s18 =	ssub.s32 $0x180, s19  }
0x4e: {  	s18 =	simm.s32 @p1 $0x0  }
0x4f: {  	s17 =	smul.u32 s18, s17;
	_ =	sdelay $0x1  }
0x50: {  	s18 =	simm.s32 $0x1;
	s17 =	sand.u32 $0x3FFFFFFF, s17  }
0x51: {  	s18 =	simm.s32 @!p0 $0x0;
	_ =	swait.ge [sflag:s4], s17  }
0x52: {  	s28 =	sshll.u32 s18, $0xD;
	s17 =	ssub.s32 $0x0, s17;
	[sflag:s4] =	ssyncset.done $0x0  }
0x53: {  	s29 =	sor.u32 $0x40, s28;
	[sflag:s4] =	ssyncadd.s32 s17  }
0x54: {  	s30 =	smul.u32 $0x8200, s18;
	v0 =	vld [tilespmem:s29+$0x30]  }
0x55: {  	v1 =	vld [tilespmem:s29+$0xFFFFFFD0]  }
0x56: {  	s17 =	sshrl.u32 s30, $0x2;
	v5 =	vld [tilespmem:s29+$0xFFFFFFE0]  }
0x57: {  	s18 =	sor.u32 $0x4000, s17;
	v6 =	vld [tilespmem:s29+$0xFFFFFFF0]  }
0x58: {  	s31 =	sand.u32 $0x1, s8;
	v4 =	vld [tilespmem:s29+$0x0];
	s19 =	sadd.s32 $0x0, s18  }
0x59: {  	s17 =	smul.u32 $0x8200, s31;
	v2 =	vld [tilespmem:s29+$0x10];
	[tilespmem:s19+$0x1C70 ss:$0x41] =	vst.msk $0xffff, v0  }
0x5a: {  	v3 =	vld [tilespmem:s29+$0x20];
	[tilespmem:s19+$0x410 ss:$0x41] =	vst.msk $0xffff, v1  }
0x5b: {  	s20 =	sadd.s32 $0x80, s29;
	s17 =	sshrl.u32 s17, $0x2;
	v0 =	vld [tilespmem:s29+$0xFFFFFFC0];
	[tilespmem:s19+$0x820 ss:$0x41] =	vst.msk $0xffff, v5  }
0x5c: {  	s22 =	simm.s32 $0x8;
	s21 =	simm.s32 $0x4;
	s17 =	sor.u32 $0x4000, s17;
	v1 =	vld [tilespmem:s20+$0x30];
	[tilespmem:s19+$0xC30 ss:$0x41] =	vst.msk $0xffff, v6  }
.LBB1_5:
0x5d: {  	p1 =	sne.s32 s22, $0xFC;
	v5 =	vld [tilespmem:s20+$0xFFFFFFD0];
	[tilespmem:s19+$0x1040 ss:$0x41] =	vst.msk $0xffff, v4  }
0x5e: {  	v6 =	vld [tilespmem:s20+$0xFFFFFFE0];
	[tilespmem:s19+$0x1450 ss:$0x41] =	vst.msk $0xffff, v2  }
0x5f: {  	s23 =	sshra.s32 s21, $0x2;
	s21 =	smov.u32 s22;
	v7 =	vld [tilespmem:s20+$0xFFFFFFF0];
	[tilespmem:s19+$0x1860 ss:$0x41] =	vst.msk $0xffff, v3  }
.Ltmp5:
0x60: {  	v4 =	vld [tilespmem:s20+$0x0];
	[tilespmem:s19+$0x0 ss:$0x41] =	vst.msk $0xffff, v0;
	s19 =	sadd.s32 s23, s18;
	(pc) =	sbr.rel @p1 .LBB1_5-.Ltmp5, $4  }
0x61: {  	v2 =	vld [tilespmem:s20+$0x10];
	[tilespmem:s19+$0x1C70 ss:$0x41] =	vst.msk $0xffff, v1  }
0x62: {  	[tilespmem:s19+$0x410 ss:$0x41] =	vst.msk $0xffff, v5;
	v3 =	vld [tilespmem:s20+$0x20]  }
0x63: {  	v0 =	vld [tilespmem:s20+$0xFFFFFFC0];
	[tilespmem:s19+$0x820 ss:$0x41] =	vst.msk $0xffff, v6;
	s20 =	sadd.s32 $0x80, s20  }
0x64: {  	s22 =	sadd.s32 $0x4, s22;
	v1 =	vld [tilespmem:s20+$0x30];
	[tilespmem:s19+$0xC30 ss:$0x41] =	vst.msk $0xffff, v7  }
0x65: {  	s16 =	sshll.u32 s16, $0x7;
	s22 =	sshll.u32 s13, $0x3;
	v5 =	vld [tilespmem:s20+$0xFFFFFFD0];
	[tilespmem:s19+$0x1040 ss:$0x41] =	vst.msk $0xffff, v4  }
0x66: {  	v58 =	vld [tilespmem:s20+$0xFFFFFFE0];
	s23 =	sand.u32 $0xFFFFFC00, s16;
	s22 =	sand.u32 $0xFFFFFC00, s22;
	[tilespmem:s19+$0x1450 ss:$0x41] =	vst.msk $0xffff, v2  }
0x67: {  	s21 =	sshra.s32 s21, $0x2;
	v59 =	vld [tilespmem:s20+$0xFFFFFFF0];
	s16 =	sand.u32 $0x380, s16;
	s22 =	sadd.s32 s23, s22;
	[tilespmem:s19+$0x1860 ss:$0x41] =	vst.msk $0xffff, v3  }
0x68: {  	v60 =	vld [tilespmem:s20+$0x0];
	s18 =	sadd.s32 s21, s18;
	s16 =	sor.u32 s16, s22;
	[tilespmem:s19+$0x0 ss:$0x41] =	vst.msk $0xffff, v0  }
0x69: {  	v61 =	vld [tilespmem:s20+$0x10];
	s15 =	smul.u32 $0x54000, s15;
	s16 =	sshrl.u32 s16, $0x7;
	[tilespmem:s18+$0x1C70 ss:$0x41] =	vst.msk $0xffff, v1  }
0x6a: {  	v62 =	vld [tilespmem:s20+$0x20];
	s28 =	smulhi.u32 $0x4924925, s16;
	[tilespmem:s18+$0x410 ss:$0x41] =	vst.msk $0xffff, v5  }
0x6b: {  	v63 =	vld [tilespmem:s20+$0xFFFFFFC0];
	s14 =	smul.u32 $0x380, s14;
	[tilespmem:s18+$0x820 ss:$0x41] =	vst.msk $0xffff, v58  }
0x6c: {  	s29 =	sshrl.u32 s13, $0x3;
	[tilespmem:s18+$0xC30 ss:$0x41] =	vst.msk $0xffff, v59;
	s19 =	smul.u32 $0x38, s28  }
.Ltmp6:
0x6d: {  	s30 =	sand.u32 $0x7, s13;
	s15 =	sadd.s32 s3, s15;
	[tilespmem:s18+$0x1040 ss:$0x41] =	vst.msk $0xffff, v60;
	(pc) =	sbr.rel .LBB1_7-.Ltmp6, $4  }
0x6e: {  	s14 =	sadd.s32 s14, s15;
	[tilespmem:s18+$0x1450 ss:$0x41] =	vst.msk $0xffff, v61;
	s16 =	ssub.s32 s16, s19;
	s19 =	sand.u32 $0xF, s29  }
0x6f: {  	s13 =	sshll.u32 s30, $0x12;
	[tilespmem:s18+$0x1860 ss:$0x41] =	vst.msk $0xffff, v62;
	s31 =	sshll.u32 s16, $0x4;
	s14 =	sadd.s32 s19, s14  }
0x70: {  	s13 =	sor.u32 $0x40, s13;
	[tilespmem:s18+$0x0 ss:$0x41] =	vst.msk $0xffff, v63;
	s14 =	sadd.s32 s31, s14  }
0x71: {  	[hbm4b:s14+s13] =	stream.strided.scatter [tilespmem:s17], [sflag:$0x2], $0x2000, s7, s13, $0x18;
	[tilespmem:$0x8100] =	vst v63  }
.LBB1_8:
0x72: {  	_ =	sfence.sel $0x180000  }
0x73: {  	s2 =	simm.s32 $0x1;
	[bflag:$0x0] =	sbarrier.arrive $0xFFFF  }
0x74: {  	s31 =	simm.s32 $0x2;
	[sflag:s2] =	ssyncpa.u1 $0x1  }
0x75: {  	[sflag:s31] =	ssyncpa.u1 $0x1  }
0x76: {  	p0 =	sne.s32 s1, $0x0;
	_ =	strace $0x90000047  }
0x77: {  	s0 =	sadd.s32 @!p0 $0x100000, s0;
	[bflag:$0x2] =	sbarrier.arrive $0xFFFF  }
0x78: {  	[sflag:s0] =	ssyncadd.tile.s32 @!p0 $0x1;
	_ =	shalt  }
.Lfunc_end1:
_tile_overlayer_lowered:
.L_overlay_start_2:
0x79: {  	(tag) =	ssettag $0x2  }
0x7a: {  	s0 =	rddreg [dreg:$0x0];
	s2 =	stileid.u32  }
0x7b: {  	s1 =	rddreg [dreg:$0x1];
	p0 =	sne.s32 s2, $0x0  }
0x7c: {  	s3 =	rddreg [dreg:$0x2];
	[bflag:$0x3] =	sbarrier.arrive $0xFFFF;
	s2 =	simm.s32 @!p0 $0x1C01  }
0x7d: {  	[timem:s3], [sflag:s2] =	dma.local @!p0 [hbm:s0], s1  }
0x7e: {  	s0 =	simm.s32 @!p0 $0x1  }
0x7f: {  	_ =	swait.ge @!p0 [sflag:s0], s1  }
0x80: {  	s1 =	ssub.s32 @!p0 $0x0, s1;
	[sflag:s0] =	ssyncset.done @!p0 $0x0  }
0x81: {  	[sflag:s0] =	ssyncadd.s32 @!p0 s1  }
0x82: {  	[bflag:$0x3] =	sbarrier.arrive $0xFFFF  }
0x83: {  	_ =	shalt  }

</sc_bundles>
